<compile_context>
chip_gen: v7x
topology: tpu7x:2x2x1
jax: 0.10.2.dev20260603
libtpu: 0.0.44.dev20260713+nightly
codegen_flags: <defaults>
</compile_context>

<pallas_src>
import functools

import jax
import jax.numpy as jnp
from jax import lax
from jax.experimental import pallas as pl
from jax.experimental.pallas import tpu as pltpu
from jax.experimental.pallas import tpu_sc as plsc

E = 64
KA = 128
N_VECS = 8192
N_CODES = 8192
BZ = 2048
BK = 4096
NZ = N_VECS // BZ
NK = N_CODES // BK
BIGF = 3.0e38


def _vq_tc_body(z_ref, w_ref, wn_ref, idx_ref, loss_ref, lhs_ref, rhs_ref,
                rv_ref, rj_ref, acc_ref):
    i = pl.program_id(0)
    k = pl.program_id(1)

    @pl.when(i == 0)
    def _():
        wb = w_ref[...]
        wnb = wb / jnp.maximum(
            jnp.sqrt(jnp.sum(wb * wb, axis=1, keepdims=True)), 1e-12)
        rhs_ref[pl.ds(k * BK, BK), :] = jnp.concatenate(
            [-2.0 * wnb, jnp.full((BK, 1), 2.0, jnp.float32),
             jnp.zeros((BK, KA - E - 1), jnp.float32)], axis=1)

    @pl.when(k == 0)
    def _():
        zb = z_ref[...]
        znb = zb / jnp.maximum(
            jnp.sqrt(jnp.sum(zb * zb, axis=1, keepdims=True)), 1e-12)
        lhs_ref[...] = jnp.concatenate(
            [znb, jnp.ones((BZ, 1), jnp.float32),
             jnp.zeros((BZ, KA - E - 1), jnp.float32)], axis=1)
        rv_ref[...] = jnp.full((BZ, 128), BIGF, jnp.float32)
        rj_ref[...] = jnp.zeros((BZ, 128), jnp.float32)

    step = i * NK + k
    srows = N_CODES // (NZ * NK)
    wn_ref[...] = rhs_ref[pl.ds(step * srows, srows), :] * -0.5

    d = lax.dot_general(lhs_ref[...], rhs_ref[pl.ds(k * BK, BK), :],
                        (((1,), (1,)), ((), ())),
                        preferred_element_type=jnp.float32)
    ngrp = BK // 128
    basef = lax.convert_element_type(k * ngrp, jnp.float32)
    rv = rv_ref[...]
    rj = rj_ref[...]
    for j in range(ngrp):
        dj = d[:, j * 128:(j + 1) * 128]
        better = dj < rv
        rv = jnp.minimum(rv, dj)
        rj = jnp.where(better, basef + float(j), rj)
    rv_ref[...] = rv
    rj_ref[...] = rj

    @pl.when(k == NK - 1)
    def _():
        dmin = jnp.min(rv, axis=1, keepdims=True)
        lanef = lax.broadcasted_iota(
            jnp.int32, (BZ, 128), 1).astype(jnp.float32)
        colg = rj * 128.0 + lanef
        amin = jnp.min(jnp.where(rv == dmin, colg, BIGF),
                       axis=1, keepdims=True)
        idx_ref[...] = amin.astype(jnp.int32).reshape(BZ // 128, 128)
        part = jnp.sum(dmin)

        @pl.when(i == 0)
        def _():
            acc_ref[0, 0] = part

        @pl.when(i > 0)
        def _():
            acc_ref[0, 0] = acc_ref[0, 0] + part

        @pl.when(i == NZ - 1)
        def _():
            loss_ref[0, 0] = 1.25 * acc_ref[0, 0] / (N_VECS * E)


def _vq_tc(z2, w):
    return pl.pallas_call(
        _vq_tc_body,
        grid=(NZ, NK),
        in_specs=[
            pl.BlockSpec((BZ, E), lambda i, k: (i, 0)),
            pl.BlockSpec((BK, E), lambda i, k: (k, 0)),
        ],
        out_specs=[
            pl.BlockSpec((N_CODES // (NZ * NK), KA),
                         lambda i, k: (i * NK + k, 0)),
            pl.BlockSpec((BZ // 128, 128), lambda i, k: (i, 0)),
            pl.BlockSpec((1, 1), lambda i, k: (0, 0),
                         memory_space=pltpu.SMEM),
        ],
        out_shape=[
            jax.ShapeDtypeStruct((N_CODES, KA), jnp.float32),
            jax.ShapeDtypeStruct((N_VECS // 128, 128), jnp.int32),
            jax.ShapeDtypeStruct((1, 1), jnp.float32),
        ],
        scratch_shapes=[
            pltpu.VMEM((BZ, KA), jnp.float32),
            pltpu.VMEM((N_CODES, KA), jnp.float32),
            pltpu.VMEM((BZ, 128), jnp.float32),
            pltpu.VMEM((BZ, 128), jnp.float32),
            pltpu.SMEM((1, 1), jnp.float32),
        ],
        compiler_params=pltpu.CompilerParams(
            dimension_semantics=("arbitrary", "arbitrary"),
            vmem_limit_bytes=100 * 1024 * 1024),
    )(z2, w)


def _sc_gather(wn, idx_flat):
    info = plsc.get_sparse_core_info()
    nc, ns = info.num_cores, info.num_subcores
    nw = nc * ns
    per_w = N_VECS // nw
    ch = 128
    nch = per_w // ch
    mesh = plsc.VectorSubcoreMesh(core_axis_name="c", subcore_axis_name="s")

    @functools.partial(
        pl.kernel,
        mesh=mesh,
        out_type=jax.ShapeDtypeStruct((N_VECS, E), jnp.float32),
        scratch_types=[
            pltpu.VMEM((ch,), jnp.int32),
            pltpu.VMEM((ch, KA), jnp.float32),
            pltpu.SemaphoreType.DMA,
        ],
        compiler_params=pltpu.CompilerParams(use_tc_tiling_on_sc=False),
    )
    def gather_k(table_hbm, idx_hbm, out_hbm, idx_v, rows_v, sem):
        wid = lax.axis_index("s") * nc + lax.axis_index("c")
        base = wid * per_w
        for c in range(nch):
            off = base + c * ch
            pltpu.sync_copy(idx_hbm.at[pl.ds(off, ch)], idx_v)
            pltpu.async_copy(table_hbm.at[idx_v], rows_v, sem).wait()
            pltpu.sync_copy(rows_v.at[:, pl.ds(0, E)],
                            out_hbm.at[pl.ds(off, ch)])

    return gather_k(wn, idx_flat)


def kernel(z, W):
    z2 = z.reshape(-1, E)
    wn, idx2, loss2 = _vq_tc(z2, W)
    zq = _sc_gather(wn, idx2.reshape(-1))
    return (zq.reshape(z.shape), loss2[0, 0],
            idx2.reshape(z.shape[:-1]))

# --- scband reference (transcript-rebuilt; emitter-appended) ---
"""Pipeline reference for scband-vector-quantizer-30245159699092 (READ-ONLY COPY).

The authoritative reference and input builder live on the scoring server;
editing this copy changes nothing except your own understanding.
"""

import jax, jax.numpy as jnp
import numpy as np


def l2norm(t):
    n = jnp.linalg.norm(t, axis=-1, keepdims=True)
    n = jnp.maximum(n, 1e-12)
    return t / n


def setup_inputs(seed: int = 0) -> dict:
    key = jax.random.key(seed)
    k1, k2 = jax.random.split(key)
    z = jax.random.normal(k1, (8, 1024, 64), dtype=jnp.float32)
    W = jax.random.normal(k2, (8192, 64), dtype=jnp.float32)
    return {"z": z, "W": W}


def reference(z, W):
    beta = 0.25
    e_dim = 64
    # use_norm=True path
    z = l2norm(z)
    z_flattened = z.reshape(-1, e_dim)
    embedd_norm = l2norm(W)
    d = 2.0 - 2.0 * jnp.einsum('bc,nc->bn', z_flattened, embedd_norm)
    encoding_indices = jnp.argmin(d, axis=1).reshape(z.shape[:-1])
    z_q = jnp.take(W, encoding_indices, axis=0)
    z_q = l2norm(z_q)
    sg = jax.lax.stop_gradient
    loss = beta * jnp.mean((sg(z_q) - z) ** 2) + jnp.mean((z_q - sg(z)) ** 2)
    z_q_out = z + sg(z_q - z)
    return (z_q_out, loss, encoding_indices)

if __name__ == "__main__":
    import jax
    _d = setup_inputs()
    print(jax.jit(kernel)(*tuple(_d.values())))

</pallas_src>

<mosaic_0001>
#map = affine_map<(d0, d1) -> (0, 0)>
#map1 = affine_map<(d0, d1) -> (0)>
module attributes {stable_mosaic.version = 14 : i64} {
  func.func @gather_k(%arg0: i32, %arg1: i32, %arg2: memref<8192x128xf32, #tpu.memory_space<hbm>>, %arg3: memref<8192xi32, #tpu.memory_space<hbm>>, %arg4: memref<8192x64xf32, #tpu.memory_space<hbm>>, %arg5: memref<128xi32, #tpu.memory_space<vmem>>, %arg6: memref<128x128xf32, #tpu.memory_space<vmem>>, %arg7: memref<!tpu.dma_semaphore, #tpu.memory_space<semaphore_mem>>) attributes {dimension_semantics = [#tpu.dimension_semantics<core_parallel>, #tpu.dimension_semantics<subcore_parallel>], iteration_bounds = array<i64: 2, 16>, scalar_prefetch = 0 : i64, scratch_operands = 3 : i64, tpu.core_type = #tpu.core_type<sc_vector_subcore>, window_params = [{transform_indices = #map}, {transform_indices = #map1}, {transform_indices = #map}]} {
    %mul3A = arith.constant 2 : i32
    %mul3A_0 = arith.muli %arg1, %mul3A : i32
    %add3A = arith.addi %mul3A_0, %arg0 : i32
    %mul3A_1 = arith.constant 256 : i32
    %mul3A_2 = arith.muli %add3A, %mul3A_1 : i32
    %add3A_3 = arith.constant 0 : i32
    %add3A_4 = arith.addi %mul3A_2, %add3A_3 : i32
    "tpu.region"() ({
      %run_scoped3A = tpu.sem_alloc : memref<!tpu.dma_semaphore, #tpu.memory_space<semaphore_mem>>
      %dma_start3A_17 = tpu.memref_slice %arg3[%add3A_4] : memref<8192xi32, #tpu.memory_space<hbm>> -> memref<128xi32, #tpu.memory_space<hbm>>
      %dma_start3A_18 = tpu.memref_slice %arg3[%add3A_4] : memref<8192xi32, #tpu.memory_space<hbm>> -> memref<128xi32, #tpu.memory_space<hbm>>
      tpu.enqueue_dma source(%dma_start3A_18 : memref<128xi32, #tpu.memory_space<hbm>>) target(%arg5 : memref<128xi32, #tpu.memory_space<vmem>>) target_semaphore(%run_scoped3A : memref<!tpu.dma_semaphore, #tpu.memory_space<semaphore_mem>>)
      %dma_wait3A_19 = tpu.memref_slice %arg3[%add3A_4] : memref<8192xi32, #tpu.memory_space<hbm>> -> memref<128xi32, #tpu.memory_space<hbm>>
      %dma_wait3A_20 = tpu.memref_slice %arg3[%add3A_4] : memref<8192xi32, #tpu.memory_space<hbm>> -> memref<128xi32, #tpu.memory_space<hbm>>
      tpu.wait_dma2 semaphore(%run_scoped3A : memref<!tpu.dma_semaphore, #tpu.memory_space<semaphore_mem>>) src(%dma_wait3A_20 : memref<128xi32, #tpu.memory_space<hbm>>) dst(%arg5 : memref<128xi32, #tpu.memory_space<vmem>>)
      tpu.yield
    }) : () -> ()
    %dma_start3A = arith.constant 0 : i32
    %dma_start3A_5 = arith.constant 0 : i32
    %dma_start3A_6 = tpu.memref_slice %arg2[%dma_start3A, %dma_start3A_5] : memref<8192x128xf32, #tpu.memory_space<hbm>> -> memref<8192x128xf32, #tpu.memory_space<hbm>>
    tpu.enqueue_indirect_dma source(%dma_start3A_6 : memref<8192x128xf32, #tpu.memory_space<hbm>>) target(%arg6 : memref<128x128xf32, #tpu.memory_space<vmem>>) offsets(%arg5 : memref<128xi32, #tpu.memory_space<vmem>>) semaphore(%arg7 : memref<!tpu.dma_semaphore, #tpu.memory_space<semaphore_mem>>)
    %dma_wait3A = arith.constant 0 : i32
    %dma_wait3A_7 = arith.constant 0 : i32
    %dma_wait3A_8 = tpu.memref_slice %arg2[%dma_wait3A, %dma_wait3A_7] : memref<8192x128xf32, #tpu.memory_space<hbm>> -> memref<8192x128xf32, #tpu.memory_space<hbm>>
    tpu.wait_indirect_dma semaphore(%arg7 : memref<!tpu.dma_semaphore, #tpu.memory_space<semaphore_mem>>) src(%dma_wait3A_8 : memref<8192x128xf32, #tpu.memory_space<hbm>>) dst(%arg6 : memref<128x128xf32, #tpu.memory_space<vmem>>)
    "tpu.region"() ({
      %run_scoped3A = tpu.sem_alloc : memref<!tpu.dma_semaphore, #tpu.memory_space<semaphore_mem>>
      %dma_start3A_17 = arith.constant 0 : i32
      %dma_start3A_18 = arith.constant 0 : i32
      %dma_start3A_19 = tpu.memref_slice %arg6[%dma_start3A_17, %dma_start3A_18] : memref<128x128xf32, #tpu.memory_space<vmem>> -> memref<128x64xf32, #tpu.memory_space<vmem>>
      %dma_start3A_20 = arith.constant 0 : i32
      %dma_start3A_21 = tpu.memref_slice %arg4[%add3A_4, %dma_start3A_20] : memref<8192x64xf32, #tpu.memory_space<hbm>> -> memref<128x64xf32, #tpu.memory_space<hbm>>
      %dma_start3A_22 = arith.constant 0 : i32
      %dma_start3A_23 = tpu.memref_slice %arg4[%add3A_4, %dma_start3A_22] : memref<8192x64xf32, #tpu.memory_space<hbm>> -> memref<128x64xf32, #tpu.memory_space<hbm>>
      %dma_start3A_24 = arith.constant 0 : i32
      %dma_start3A_25 = arith.constant 0 : i32
      %dma_start3A_26 = tpu.memref_slice %arg6[%dma_start3A_24, %dma_start3A_25] : memref<128x128xf32, #tpu.memory_space<vmem>> -> memref<128x64xf32, #tpu.memory_space<vmem>>
      tpu.enqueue_dma source(%dma_start3A_26 : memref<128x64xf32, #tpu.memory_space<vmem>>) target(%dma_start3A_23 : memref<128x64xf32, #tpu.memory_space<hbm>>) target_semaphore(%run_scoped3A : memref<!tpu.dma_semaphore, #tpu.memory_space<semaphore_mem>>)
      %dma_wait3A_27 = arith.constant 0 : i32
      %dma_wait3A_28 = arith.constant 0 : i32
      %dma_wait3A_29 = tpu.memref_slice %arg6[%dma_wait3A_27, %dma_wait3A_28] : memref<128x128xf32, #tpu.memory_space<vmem>> -> memref<128x64xf32, #tpu.memory_space<vmem>>
      %dma_wait3A_30 = arith.constant 0 : i32
      %dma_wait3A_31 = tpu.memref_slice %arg4[%add3A_4, %dma_wait3A_30] : memref<8192x64xf32, #tpu.memory_space<hbm>> -> memref<128x64xf32, #tpu.memory_space<hbm>>
      %dma_wait3A_32 = arith.constant 0 : i32
      %dma_wait3A_33 = tpu.memref_slice %arg4[%add3A_4, %dma_wait3A_32] : memref<8192x64xf32, #tpu.memory_space<hbm>> -> memref<128x64xf32, #tpu.memory_space<hbm>>
      %dma_wait3A_34 = arith.constant 0 : i32
      %dma_wait3A_35 = arith.constant 0 : i32
      %dma_wait3A_36 = tpu.memref_slice %arg6[%dma_wait3A_34, %dma_wait3A_35] : memref<128x128xf32, #tpu.memory_space<vmem>> -> memref<128x64xf32, #tpu.memory_space<vmem>>
      tpu.wait_dma2 semaphore(%run_scoped3A : memref<!tpu.dma_semaphore, #tpu.memory_space<semaphore_mem>>) src(%dma_wait3A_36 : memref<128x64xf32, #tpu.memory_space<vmem>>) dst(%dma_wait3A_33 : memref<128x64xf32, #tpu.memory_space<hbm>>)
      tpu.yield
    }) : () -> ()
    %add3A_9 = arith.constant 128 : i32
    %add3A_10 = arith.addi %mul3A_2, %add3A_9 : i32
    "tpu.region"() ({
      %run_scoped3A = tpu.sem_alloc : memref<!tpu.dma_semaphore, #tpu.memory_space<semaphore_mem>>
      %dma_start3A_17 = tpu.memref_slice %arg3[%add3A_10] : memref<8192xi32, #tpu.memory_space<hbm>> -> memref<128xi32, #tpu.memory_space<hbm>>
      %dma_start3A_18 = tpu.memref_slice %arg3[%add3A_10] : memref<8192xi32, #tpu.memory_space<hbm>> -> memref<128xi32, #tpu.memory_space<hbm>>
      tpu.enqueue_dma source(%dma_start3A_18 : memref<128xi32, #tpu.memory_space<hbm>>) target(%arg5 : memref<128xi32, #tpu.memory_space<vmem>>) target_semaphore(%run_scoped3A : memref<!tpu.dma_semaphore, #tpu.memory_space<semaphore_mem>>)
      %dma_wait3A_19 = tpu.memref_slice %arg3[%add3A_10] : memref<8192xi32, #tpu.memory_space<hbm>> -> memref<128xi32, #tpu.memory_space<hbm>>
      %dma_wait3A_20 = tpu.memref_slice %arg3[%add3A_10] : memref<8192xi32, #tpu.memory_space<hbm>> -> memref<128xi32, #tpu.memory_space<hbm>>
      tpu.wait_dma2 semaphore(%run_scoped3A : memref<!tpu.dma_semaphore, #tpu.memory_space<semaphore_mem>>) src(%dma_wait3A_20 : memref<128xi32, #tpu.memory_space<hbm>>) dst(%arg5 : memref<128xi32, #tpu.memory_space<vmem>>)
      tpu.yield
    }) : () -> ()
    %dma_start3A_11 = arith.constant 0 : i32
    %dma_start3A_12 = arith.constant 0 : i32
    %dma_start3A_13 = tpu.memref_slice %arg2[%dma_start3A_11, %dma_start3A_12] : memref<8192x128xf32, #tpu.memory_space<hbm>> -> memref<8192x128xf32, #tpu.memory_space<hbm>>
    tpu.enqueue_indirect_dma source(%dma_start3A_13 : memref<8192x128xf32, #tpu.memory_space<hbm>>) target(%arg6 : memref<128x128xf32, #tpu.memory_space<vmem>>) offsets(%arg5 : memref<128xi32, #tpu.memory_space<vmem>>) semaphore(%arg7 : memref<!tpu.dma_semaphore, #tpu.memory_space<semaphore_mem>>)
    %dma_wait3A_14 = arith.constant 0 : i32
    %dma_wait3A_15 = arith.constant 0 : i32
    %dma_wait3A_16 = tpu.memref_slice %arg2[%dma_wait3A_14, %dma_wait3A_15] : memref<8192x128xf32, #tpu.memory_space<hbm>> -> memref<8192x128xf32, #tpu.memory_space<hbm>>
    tpu.wait_indirect_dma semaphore(%arg7 : memref<!tpu.dma_semaphore, #tpu.memory_space<semaphore_mem>>) src(%dma_wait3A_16 : memref<8192x128xf32, #tpu.memory_space<hbm>>) dst(%arg6 : memref<128x128xf32, #tpu.memory_space<vmem>>)
    "tpu.region"() ({
      %run_scoped3A = tpu.sem_alloc : memref<!tpu.dma_semaphore, #tpu.memory_space<semaphore_mem>>
      %dma_start3A_17 = arith.constant 0 : i32
      %dma_start3A_18 = arith.constant 0 : i32
      %dma_start3A_19 = tpu.memref_slice %arg6[%dma_start3A_17, %dma_start3A_18] : memref<128x128xf32, #tpu.memory_space<vmem>> -> memref<128x64xf32, #tpu.memory_space<vmem>>
      %dma_start3A_20 = arith.constant 0 : i32
      %dma_start3A_21 = tpu.memref_slice %arg4[%add3A_10, %dma_start3A_20] : memref<8192x64xf32, #tpu.memory_space<hbm>> -> memref<128x64xf32, #tpu.memory_space<hbm>>
      %dma_start3A_22 = arith.constant 0 : i32
      %dma_start3A_23 = tpu.memref_slice %arg4[%add3A_10, %dma_start3A_22] : memref<8192x64xf32, #tpu.memory_space<hbm>> -> memref<128x64xf32, #tpu.memory_space<hbm>>
      %dma_start3A_24 = arith.constant 0 : i32
      %dma_start3A_25 = arith.constant 0 : i32
      %dma_start3A_26 = tpu.memref_slice %arg6[%dma_start3A_24, %dma_start3A_25] : memref<128x128xf32, #tpu.memory_space<vmem>> -> memref<128x64xf32, #tpu.memory_space<vmem>>
      tpu.enqueue_dma source(%dma_start3A_26 : memref<128x64xf32, #tpu.memory_space<vmem>>) target(%dma_start3A_23 : memref<128x64xf32, #tpu.memory_space<hbm>>) target_semaphore(%run_scoped3A : memref<!tpu.dma_semaphore, #tpu.memory_space<semaphore_mem>>)
      %dma_wait3A_27 = arith.constant 0 : i32
      %dma_wait3A_28 = arith.constant 0 : i32
      %dma_wait3A_29 = tpu.memref_slice %arg6[%dma_wait3A_27, %dma_wait3A_28] : memref<128x128xf32, #tpu.memory_space<vmem>> -> memref<128x64xf32, #tpu.memory_space<vmem>>
      %dma_wait3A_30 = arith.constant 0 : i32
      %dma_wait3A_31 = tpu.memref_slice %arg4[%add3A_10, %dma_wait3A_30] : memref<8192x64xf32, #tpu.memory_space<hbm>> -> memref<128x64xf32, #tpu.memory_space<hbm>>
      %dma_wait3A_32 = arith.constant 0 : i32
      %dma_wait3A_33 = tpu.memref_slice %arg4[%add3A_10, %dma_wait3A_32] : memref<8192x64xf32, #tpu.memory_space<hbm>> -> memref<128x64xf32, #tpu.memory_space<hbm>>
      %dma_wait3A_34 = arith.constant 0 : i32
      %dma_wait3A_35 = arith.constant 0 : i32
      %dma_wait3A_36 = tpu.memref_slice %arg6[%dma_wait3A_34, %dma_wait3A_35] : memref<128x128xf32, #tpu.memory_space<vmem>> -> memref<128x64xf32, #tpu.memory_space<vmem>>
      tpu.wait_dma2 semaphore(%run_scoped3A : memref<!tpu.dma_semaphore, #tpu.memory_space<semaphore_mem>>) src(%dma_wait3A_36 : memref<128x64xf32, #tpu.memory_space<vmem>>) dst(%dma_wait3A_33 : memref<128x64xf32, #tpu.memory_space<hbm>>)
      tpu.yield
    }) : () -> ()
    return
  }
}

module attributes {stable_mosaic.version = 14 : i64} {
  func.func @_vq_tc_body(%arg0: i32, %arg1: i32, %arg2: memref<2048x64xf32, #tpu.memory_space<vmem>>, %arg3: memref<4096x64xf32, #tpu.memory_space<vmem>>, %arg4: memref<1024x128xf32, #tpu.memory_space<vmem>>, %arg5: memref<16x128xi32, #tpu.memory_space<vmem>>, %arg6: memref<1x1xf32, #tpu.memory_space<smem>>, %arg7: memref<2048x128xf32, #tpu.memory_space<vmem>>, %arg8: memref<8192x128xf32, #tpu.memory_space<vmem>>, %arg9: memref<2048x128xf32, #tpu.memory_space<vmem>>, %arg10: memref<2048x128xf32, #tpu.memory_space<vmem>>, %arg11: memref<1x1xf32, #tpu.memory_space<smem>>) attributes {dimension_semantics = [#tpu.dimension_semantics<arbitrary>, #tpu.dimension_semantics<arbitrary>], iteration_bounds = array<i64: 4, 2>, scalar_prefetch = 0 : i64, scratch_operands = 5 : i64, tpu.core_type = #tpu.core_type<tc>, window_params = [{transform_indices = @transform_0, window_bounds = array<i64: 2048, 64>}, {transform_indices = @transform_1, window_bounds = array<i64: 4096, 64>}, {transform_indices = @transform_2, window_bounds = array<i64: 1024, 128>}, {transform_indices = @transform_3, window_bounds = array<i64: 16, 128>}, {transform_indices = @transform_4, window_bounds = array<i64: 1, 1>}]} {
    %eq3A = arith.constant 0 : i32
    %eq3A_0 = arith.cmpi eq, %arg0, %eq3A : i32
    %convert_element_type3A = arith.extui %eq3A_0 : i1 to i32
    %cond3A = arith.constant 0 : i32
    %cond3A_1 = arith.cmpi ne, %convert_element_type3A, %cond3A : i32
    scf.if %cond3A_1 {
      %get3A_265 = arith.constant 0 : index
      %get3A_266 = arith.constant 0 : index
      %get3A_267 = vector.load %arg3[%get3A_265, %get3A_266] : memref<4096x64xf32, #tpu.memory_space<vmem>>, vector<4096x64xf32>
      %mul3A_268 = arith.mulf %get3A_267, %get3A_267 : vector<4096x64xf32>
      %reduce_sum3A = arith.constant dense<0.000000e+00> : vector<4096xf32>
      %reduce_sum3A_269 = vector.multi_reduction <add>, %mul3A_268, %reduce_sum3A [1] : vector<4096x64xf32> to vector<4096xf32>
      %broadcast_in_dim3A_270 = vector.shape_cast %reduce_sum3A_269 : vector<4096xf32> to vector<4096x1xf32>
      %sqrt3A = math.sqrt %broadcast_in_dim3A_270 : vector<4096x1xf32>
      %max3A = arith.constant 9.99999996E-13 : f32
      %max3A_271 = vector.broadcast %max3A : f32 to vector<4096x1xf32>
      %max3A_272 = arith.maximumf %sqrt3A, %max3A_271 : vector<4096x1xf32>
      %div3A = vector.broadcast %max3A_272 : vector<4096x1xf32> to vector<4096x64xf32>
      %div3A_273 = arith.divf %get3A_267, %div3A : vector<4096x64xf32>
      %mul3A_274 = arith.constant -2.000000e+00 : f32
      %mul3A_275 = vector.broadcast %mul3A_274 : f32 to vector<4096x64xf32>
      %mul3A_276 = arith.mulf %mul3A_275, %div3A_273 : vector<4096x64xf32>
      %broadcast_in_dim3A_277 = arith.constant 2.000000e+00 : f32
      %broadcast_in_dim3A_278 = vector.broadcast %broadcast_in_dim3A_277 : f32 to vector<4096x1xf32>
      %broadcast_in_dim3A_279 = arith.constant 0.000000e+00 : f32
      %broadcast_in_dim3A_280 = vector.broadcast %broadcast_in_dim3A_279 : f32 to vector<4096x63xf32>
      %concatenate3A = tpu.concatenate %mul3A_276, %broadcast_in_dim3A_278, %broadcast_in_dim3A_280 in 1 : vector<4096x64xf32>, vector<4096x1xf32>, vector<4096x63xf32> -> vector<4096x128xf32>
      %mul3A_281 = arith.constant 4096 : i32
      %mul3A_282 = arith.muli %arg1, %mul3A_281 : i32
      %swap3A_283 = arith.index_cast %mul3A_282 : i32 to index
      %swap3A_284 = arith.constant 0 : index
      %swap3A_285 = vector.load %arg8[%swap3A_283, %swap3A_284] : memref<8192x128xf32, #tpu.memory_space<vmem>>, vector<4096x128xf32>
      tpu.vector_store %arg8[%swap3A_283, %swap3A_284], %concatenate3A {strides = array<i32>} : memref<8192x128xf32, #tpu.memory_space<vmem>>, vector<4096x128xf32>,
    } else {
    }
    %eq3A_2 = arith.constant 0 : i32
    %eq3A_3 = arith.cmpi eq, %arg1, %eq3A_2 : i32
    %convert_element_type3A_4 = arith.extui %eq3A_3 : i1 to i32
    %cond3A_5 = arith.constant 0 : i32
    %cond3A_6 = arith.cmpi ne, %convert_element_type3A_4, %cond3A_5 : i32
    scf.if %cond3A_6 {
      %get3A_265 = arith.constant 0 : index
      %get3A_266 = arith.constant 0 : index
      %get3A_267 = vector.load %arg2[%get3A_265, %get3A_266] : memref<2048x64xf32, #tpu.memory_space<vmem>>, vector<2048x64xf32>
      %mul3A_268 = arith.mulf %get3A_267, %get3A_267 : vector<2048x64xf32>
      %reduce_sum3A = arith.constant dense<0.000000e+00> : vector<2048xf32>
      %reduce_sum3A_269 = vector.multi_reduction <add>, %mul3A_268, %reduce_sum3A [1] : vector<2048x64xf32> to vector<2048xf32>
      %broadcast_in_dim3A_270 = vector.shape_cast %reduce_sum3A_269 : vector<2048xf32> to vector<2048x1xf32>
      %sqrt3A = math.sqrt %broadcast_in_dim3A_270 : vector<2048x1xf32>
      %max3A = arith.constant 9.99999996E-13 : f32
      %max3A_271 = vector.broadcast %max3A : f32 to vector<2048x1xf32>
      %max3A_272 = arith.maximumf %sqrt3A, %max3A_271 : vector<2048x1xf32>
      %div3A = vector.broadcast %max3A_272 : vector<2048x1xf32> to vector<2048x64xf32>
      %div3A_273 = arith.divf %get3A_267, %div3A : vector<2048x64xf32>
      %broadcast_in_dim3A_274 = arith.constant 1.000000e+00 : f32
      %broadcast_in_dim3A_275 = vector.broadcast %broadcast_in_dim3A_274 : f32 to vector<2048x1xf32>
      %broadcast_in_dim3A_276 = arith.constant 0.000000e+00 : f32
      %broadcast_in_dim3A_277 = vector.broadcast %broadcast_in_dim3A_276 : f32 to vector<2048x63xf32>
      %concatenate3A = tpu.concatenate %div3A_273, %broadcast_in_dim3A_275, %broadcast_in_dim3A_277 in 1 : vector<2048x64xf32>, vector<2048x1xf32>, vector<2048x63xf32> -> vector<2048x128xf32>
      %swap3A_278 = arith.constant 0 : index
      %swap3A_279 = arith.constant 0 : index
      %swap3A_280 = vector.load %arg7[%swap3A_278, %swap3A_279] : memref<2048x128xf32, #tpu.memory_space<vmem>>, vector<2048x128xf32>
      tpu.vector_store %arg7[%swap3A_278, %swap3A_279], %concatenate3A {strides = array<i32>} : memref<2048x128xf32, #tpu.memory_space<vmem>>, vector<2048x128xf32>,
      %broadcast_in_dim3A_281 = arith.constant 3.000000e+38 : f32
      %broadcast_in_dim3A_282 = vector.broadcast %broadcast_in_dim3A_281 : f32 to vector<2048x128xf32>
      %swap3A_283 = arith.constant 0 : index
      %swap3A_284 = arith.constant 0 : index
      %swap3A_285 = vector.load %arg9[%swap3A_283, %swap3A_284] : memref<2048x128xf32, #tpu.memory_space<vmem>>, vector<2048x128xf32>
      tpu.vector_store %arg9[%swap3A_283, %swap3A_284], %broadcast_in_dim3A_282 {strides = array<i32>} : memref<2048x128xf32, #tpu.memory_space<vmem>>, vector<2048x128xf32>,
      %broadcast_in_dim3A_286 = arith.constant 0.000000e+00 : f32
      %broadcast_in_dim3A_287 = vector.broadcast %broadcast_in_dim3A_286 : f32 to vector<2048x128xf32>
      %swap3A_288 = arith.constant 0 : index
      %swap3A_289 = arith.constant 0 : index
      %swap3A_290 = vector.load %arg10[%swap3A_288, %swap3A_289] : memref<2048x128xf32, #tpu.memory_space<vmem>>, vector<2048x128xf32>
      tpu.vector_store %arg10[%swap3A_288, %swap3A_289], %broadcast_in_dim3A_287 {strides = array<i32>} : memref<2048x128xf32, #tpu.memory_space<vmem>>, vector<2048x128xf32>,
    } else {
    }
    %mul3A = arith.constant 2 : i32
    %mul3A_7 = arith.muli %arg0, %mul3A : i32
    %add3A = arith.addi %mul3A_7, %arg1 : i32
    %mul3A_8 = arith.constant 1024 : i32
    %mul3A_9 = arith.muli %add3A, %mul3A_8 : i32
    %get3A = arith.index_cast %mul3A_9 : i32 to index
    %get3A_10 = arith.constant 0 : index
    %get3A_11 = vector.load %arg8[%get3A, %get3A_10] : memref<8192x128xf32, #tpu.memory_space<vmem>>, vector<1024x128xf32>
    %mul3A_12 = arith.constant -5.000000e-01 : f32
    %mul3A_13 = vector.broadcast %mul3A_12 : f32 to vector<1024x128xf32>
    %mul3A_14 = arith.mulf %get3A_11, %mul3A_13 : vector<1024x128xf32>
    %swap3A = arith.constant 0 : index
    %swap3A_15 = arith.constant 0 : index
    %swap3A_16 = vector.load %arg4[%swap3A, %swap3A_15] : memref<1024x128xf32, #tpu.memory_space<vmem>>, vector<1024x128xf32>
    tpu.vector_store %arg4[%swap3A, %swap3A_15], %mul3A_14 {strides = array<i32>} : memref<1024x128xf32, #tpu.memory_space<vmem>>, vector<1024x128xf32>,
    %get3A_17 = arith.constant 0 : index
    %get3A_18 = arith.constant 0 : index
    %get3A_19 = vector.load %arg7[%get3A_17, %get3A_18] : memref<2048x128xf32, #tpu.memory_space<vmem>>, vector<2048x128xf32>
    %mul3A_20 = arith.constant 4096 : i32
    %mul3A_21 = arith.muli %arg1, %mul3A_20 : i32
    %get3A_22 = arith.index_cast %mul3A_21 : i32 to index
    %get3A_23 = arith.constant 0 : index
    %get3A_24 = vector.load %arg8[%get3A_22, %get3A_23] : memref<8192x128xf32, #tpu.memory_space<vmem>>, vector<4096x128xf32>
    %dot_general3A = arith.constant dense<0.000000e+00> : vector<2048x4096xf32>
    %dot_general3A_25 = tpu.matmul %get3A_19, %get3A_24, %dot_general3A {dimension_numbers = #tpu.dot_dimension_numbers<[1], [1], [0], [0], [0, 0, 1, 0], [], []>, transpose_lhs_hint = false} : vector<2048x128xf32>, vector<4096x128xf32>, vector<2048x4096xf32> -> vector<2048x4096xf32>
    %mul3A_26 = arith.constant 32 : i32
    %mul3A_27 = arith.muli %arg1, %mul3A_26 : i32
    %convert_element_type3A_28 = arith.sitofp %mul3A_27 : i32 to f32
    %get3A_29 = arith.constant 0 : index
    %get3A_30 = arith.constant 0 : index
    %get3A_31 = vector.load %arg9[%get3A_29, %get3A_30] : memref<2048x128xf32, #tpu.memory_space<vmem>>, vector<2048x128xf32>
    %get3A_32 = arith.constant 0 : index
    %get3A_33 = arith.constant 0 : index
    %get3A_34 = vector.load %arg10[%get3A_32, %get3A_33] : memref<2048x128xf32, #tpu.memory_space<vmem>>, vector<2048x128xf32>
    %slice3A = vector.extract_strided_slice %dot_general3A_25 {offsets = [0, 0], sizes = [2048, 128], strides = [1, 1]} : vector<2048x4096xf32> to vector<2048x128xf32>
    %lt3A = arith.cmpf olt, %slice3A, %get3A_31 : vector<2048x128xf32>
    %min3A = arith.minimumf %get3A_31, %slice3A : vector<2048x128xf32>
    %add3A_35 = arith.constant 0.000000e+00 : f32
    %add3A_36 = arith.addf %convert_element_type3A_28, %add3A_35 : f32
    %broadcast_in_dim3A = vector.broadcast %add3A_36 : f32 to vector<2048x128xf32>
    %select_n3A = arith.select %lt3A, %broadcast_in_dim3A, %get3A_34 : vector<2048x128xi1>, vector<2048x128xf32>
    %slice3A_37 = vector.extract_strided_slice %dot_general3A_25 {offsets = [0, 128], sizes = [2048, 128], strides = [1, 1]} : vector<2048x4096xf32> to vector<2048x128xf32>
    %lt3A_38 = arith.cmpf olt, %slice3A_37, %min3A : vector<2048x128xf32>
    %min3A_39 = arith.minimumf %min3A, %slice3A_37 : vector<2048x128xf32>
    %add3A_40 = arith.constant 1.000000e+00 : f32
    %add3A_41 = arith.addf %convert_element_type3A_28, %add3A_40 : f32
    %broadcast_in_dim3A_42 = vector.broadcast %add3A_41 : f32 to vector<2048x128xf32>
    %select_n3A_43 = arith.select %lt3A_38, %broadcast_in_dim3A_42, %select_n3A : vector<2048x128xi1>, vector<2048x128xf32>
    %slice3A_44 = vector.extract_strided_slice %dot_general3A_25 {offsets = [0, 256], sizes = [2048, 128], strides = [1, 1]} : vector<2048x4096xf32> to vector<2048x128xf32>
    %lt3A_45 = arith.cmpf olt, %slice3A_44, %min3A_39 : vector<2048x128xf32>
    %min3A_46 = arith.minimumf %min3A_39, %slice3A_44 : vector<2048x128xf32>
    %add3A_47 = arith.constant 2.000000e+00 : f32
    %add3A_48 = arith.addf %convert_element_type3A_28, %add3A_47 : f32
    %broadcast_in_dim3A_49 = vector.broadcast %add3A_48 : f32 to vector<2048x128xf32>
    %select_n3A_50 = arith.select %lt3A_45, %broadcast_in_dim3A_49, %select_n3A_43 : vector<2048x128xi1>, vector<2048x128xf32>
    %slice3A_51 = vector.extract_strided_slice %dot_general3A_25 {offsets = [0, 384], sizes = [2048, 128], strides = [1, 1]} : vector<2048x4096xf32> to vector<2048x128xf32>
    %lt3A_52 = arith.cmpf olt, %slice3A_51, %min3A_46 : vector<2048x128xf32>
    %min3A_53 = arith.minimumf %min3A_46, %slice3A_51 : vector<2048x128xf32>
    %add3A_54 = arith.constant 3.000000e+00 : f32
    %add3A_55 = arith.addf %convert_element_type3A_28, %add3A_54 : f32
    %broadcast_in_dim3A_56 = vector.broadcast %add3A_55 : f32 to vector<2048x128xf32>
    %select_n3A_57 = arith.select %lt3A_52, %broadcast_in_dim3A_56, %select_n3A_50 : vector<2048x128xi1>, vector<2048x128xf32>
    %slice3A_58 = vector.extract_strided_slice %dot_general3A_25 {offsets = [0, 512], sizes = [2048, 128], strides = [1, 1]} : vector<2048x4096xf32> to vector<2048x128xf32>
    %lt3A_59 = arith.cmpf olt, %slice3A_58, %min3A_53 : vector<2048x128xf32>
    %min3A_60 = arith.minimumf %min3A_53, %slice3A_58 : vector<2048x128xf32>
    %add3A_61 = arith.constant 4.000000e+00 : f32
    %add3A_62 = arith.addf %convert_element_type3A_28, %add3A_61 : f32
    %broadcast_in_dim3A_63 = vector.broadcast %add3A_62 : f32 to vector<2048x128xf32>
    %select_n3A_64 = arith.select %lt3A_59, %broadcast_in_dim3A_63, %select_n3A_57 : vector<2048x128xi1>, vector<2048x128xf32>
    %slice3A_65 = vector.extract_strided_slice %dot_general3A_25 {offsets = [0, 640], sizes = [2048, 128], strides = [1, 1]} : vector<2048x4096xf32> to vector<2048x128xf32>
    %lt3A_66 = arith.cmpf olt, %slice3A_65, %min3A_60 : vector<2048x128xf32>
    %min3A_67 = arith.minimumf %min3A_60, %slice3A_65 : vector<2048x128xf32>
    %add3A_68 = arith.constant 5.000000e+00 : f32
    %add3A_69 = arith.addf %convert_element_type3A_28, %add3A_68 : f32
    %broadcast_in_dim3A_70 = vector.broadcast %add3A_69 : f32 to vector<2048x128xf32>
    %select_n3A_71 = arith.select %lt3A_66, %broadcast_in_dim3A_70, %select_n3A_64 : vector<2048x128xi1>, vector<2048x128xf32>
    %slice3A_72 = vector.extract_strided_slice %dot_general3A_25 {offsets = [0, 768], sizes = [2048, 128], strides = [1, 1]} : vector<2048x4096xf32> to vector<2048x128xf32>
    %lt3A_73 = arith.cmpf olt, %slice3A_72, %min3A_67 : vector<2048x128xf32>
    %min3A_74 = arith.minimumf %min3A_67, %slice3A_72 : vector<2048x128xf32>
    %add3A_75 = arith.constant 6.000000e+00 : f32
    %add3A_76 = arith.addf %convert_element_type3A_28, %add3A_75 : f32
    %broadcast_in_dim3A_77 = vector.broadcast %add3A_76 : f32 to vector<2048x128xf32>
    %select_n3A_78 = arith.select %lt3A_73, %broadcast_in_dim3A_77, %select_n3A_71 : vector<2048x128xi1>, vector<2048x128xf32>
    %slice3A_79 = vector.extract_strided_slice %dot_general3A_25 {offsets = [0, 896], sizes = [2048, 128], strides = [1, 1]} : vector<2048x4096xf32> to vector<2048x128xf32>
    %lt3A_80 = arith.cmpf olt, %slice3A_79, %min3A_74 : vector<2048x128xf32>
    %min3A_81 = arith.minimumf %min3A_74, %slice3A_79 : vector<2048x128xf32>
    %add3A_82 = arith.constant 7.000000e+00 : f32
    %add3A_83 = arith.addf %convert_element_type3A_28, %add3A_82 : f32
    %broadcast_in_dim3A_84 = vector.broadcast %add3A_83 : f32 to vector<2048x128xf32>
    %select_n3A_85 = arith.select %lt3A_80, %broadcast_in_dim3A_84, %select_n3A_78 : vector<2048x128xi1>, vector<2048x128xf32>
    %slice3A_86 = vector.extract_strided_slice %dot_general3A_25 {offsets = [0, 1024], sizes = [2048, 128], strides = [1, 1]} : vector<2048x4096xf32> to vector<2048x128xf32>
    %lt3A_87 = arith.cmpf olt, %slice3A_86, %min3A_81 : vector<2048x128xf32>
    %min3A_88 = arith.minimumf %min3A_81, %slice3A_86 : vector<2048x128xf32>
    %add3A_89 = arith.constant 8.000000e+00 : f32
    %add3A_90 = arith.addf %convert_element_type3A_28, %add3A_89 : f32
    %broadcast_in_dim3A_91 = vector.broadcast %add3A_90 : f32 to vector<2048x128xf32>
    %select_n3A_92 = arith.select %lt3A_87, %broadcast_in_dim3A_91, %select_n3A_85 : vector<2048x128xi1>, vector<2048x128xf32>
    %slice3A_93 = vector.extract_strided_slice %dot_general3A_25 {offsets = [0, 1152], sizes = [2048, 128], strides = [1, 1]} : vector<2048x4096xf32> to vector<2048x128xf32>
    %lt3A_94 = arith.cmpf olt, %slice3A_93, %min3A_88 : vector<2048x128xf32>
    %min3A_95 = arith.minimumf %min3A_88, %slice3A_93 : vector<2048x128xf32>
    %add3A_96 = arith.constant 9.000000e+00 : f32
    %add3A_97 = arith.addf %convert_element_type3A_28, %add3A_96 : f32
    %broadcast_in_dim3A_98 = vector.broadcast %add3A_97 : f32 to vector<2048x128xf32>
    %select_n3A_99 = arith.select %lt3A_94, %broadcast_in_dim3A_98, %select_n3A_92 : vector<2048x128xi1>, vector<2048x128xf32>
    %slice3A_100 = vector.extract_strided_slice %dot_general3A_25 {offsets = [0, 1280], sizes = [2048, 128], strides = [1, 1]} : vector<2048x4096xf32> to vector<2048x128xf32>
    %lt3A_101 = arith.cmpf olt, %slice3A_100, %min3A_95 : vector<2048x128xf32>
    %min3A_102 = arith.minimumf %min3A_95, %slice3A_100 : vector<2048x128xf32>
    %add3A_103 = arith.constant 1.000000e+01 : f32
    %add3A_104 = arith.addf %convert_element_type3A_28, %add3A_103 : f32
    %broadcast_in_dim3A_105 = vector.broadcast %add3A_104 : f32 to vector<2048x128xf32>
    %select_n3A_106 = arith.select %lt3A_101, %broadcast_in_dim3A_105, %select_n3A_99 : vector<2048x128xi1>, vector<2048x128xf32>
    %slice3A_107 = vector.extract_strided_slice %dot_general3A_25 {offsets = [0, 1408], sizes = [2048, 128], strides = [1, 1]} : vector<2048x4096xf32> to vector<2048x128xf32>
    %lt3A_108 = arith.cmpf olt, %slice3A_107, %min3A_102 : vector<2048x128xf32>
    %min3A_109 = arith.minimumf %min3A_102, %slice3A_107 : vector<2048x128xf32>
    %add3A_110 = arith.constant 1.100000e+01 : f32
    %add3A_111 = arith.addf %convert_element_type3A_28, %add3A_110 : f32
    %broadcast_in_dim3A_112 = vector.broadcast %add3A_111 : f32 to vector<2048x128xf32>
    %select_n3A_113 = arith.select %lt3A_108, %broadcast_in_dim3A_112, %select_n3A_106 : vector<2048x128xi1>, vector<2048x128xf32>
    %slice3A_114 = vector.extract_strided_slice %dot_general3A_25 {offsets = [0, 1536], sizes = [2048, 128], strides = [1, 1]} : vector<2048x4096xf32> to vector<2048x128xf32>
    %lt3A_115 = arith.cmpf olt, %slice3A_114, %min3A_109 : vector<2048x128xf32>
    %min3A_116 = arith.minimumf %min3A_109, %slice3A_114 : vector<2048x128xf32>
    %add3A_117 = arith.constant 1.200000e+01 : f32
    %add3A_118 = arith.addf %convert_element_type3A_28, %add3A_117 : f32
    %broadcast_in_dim3A_119 = vector.broadcast %add3A_118 : f32 to vector<2048x128xf32>
    %select_n3A_120 = arith.select %lt3A_115, %broadcast_in_dim3A_119, %select_n3A_113 : vector<2048x128xi1>, vector<2048x128xf32>
    %slice3A_121 = vector.extract_strided_slice %dot_general3A_25 {offsets = [0, 1664], sizes = [2048, 128], strides = [1, 1]} : vector<2048x4096xf32> to vector<2048x128xf32>
    %lt3A_122 = arith.cmpf olt, %slice3A_121, %min3A_116 : vector<2048x128xf32>
    %min3A_123 = arith.minimumf %min3A_116, %slice3A_121 : vector<2048x128xf32>
    %add3A_124 = arith.constant 1.300000e+01 : f32
    %add3A_125 = arith.addf %convert_element_type3A_28, %add3A_124 : f32
    %broadcast_in_dim3A_126 = vector.broadcast %add3A_125 : f32 to vector<2048x128xf32>
    %select_n3A_127 = arith.select %lt3A_122, %broadcast_in_dim3A_126, %select_n3A_120 : vector<2048x128xi1>, vector<2048x128xf32>
    %slice3A_128 = vector.extract_strided_slice %dot_general3A_25 {offsets = [0, 1792], sizes = [2048, 128], strides = [1, 1]} : vector<2048x4096xf32> to vector<2048x128xf32>
    %lt3A_129 = arith.cmpf olt, %slice3A_128, %min3A_123 : vector<2048x128xf32>
    %min3A_130 = arith.minimumf %min3A_123, %slice3A_128 : vector<2048x128xf32>
    %add3A_131 = arith.constant 1.400000e+01 : f32
    %add3A_132 = arith.addf %convert_element_type3A_28, %add3A_131 : f32
    %broadcast_in_dim3A_133 = vector.broadcast %add3A_132 : f32 to vector<2048x128xf32>
    %select_n3A_134 = arith.select %lt3A_129, %broadcast_in_dim3A_133, %select_n3A_127 : vector<2048x128xi1>, vector<2048x128xf32>
    %slice3A_135 = vector.extract_strided_slice %dot_general3A_25 {offsets = [0, 1920], sizes = [2048, 128], strides = [1, 1]} : vector<2048x4096xf32> to vector<2048x128xf32>
    %lt3A_136 = arith.cmpf olt, %slice3A_135, %min3A_130 : vector<2048x128xf32>
    %min3A_137 = arith.minimumf %min3A_130, %slice3A_135 : vector<2048x128xf32>
    %add3A_138 = arith.constant 1.500000e+01 : f32
    %add3A_139 = arith.addf %convert_element_type3A_28, %add3A_138 : f32
    %broadcast_in_dim3A_140 = vector.broadcast %add3A_139 : f32 to vector<2048x128xf32>
    %select_n3A_141 = arith.select %lt3A_136, %broadcast_in_dim3A_140, %select_n3A_134 : vector<2048x128xi1>, vector<2048x128xf32>
    %slice3A_142 = vector.extract_strided_slice %dot_general3A_25 {offsets = [0, 2048], sizes = [2048, 128], strides = [1, 1]} : vector<2048x4096xf32> to vector<2048x128xf32>
    %lt3A_143 = arith.cmpf olt, %slice3A_142, %min3A_137 : vector<2048x128xf32>
    %min3A_144 = arith.minimumf %min3A_137, %slice3A_142 : vector<2048x128xf32>
    %add3A_145 = arith.constant 1.600000e+01 : f32
    %add3A_146 = arith.addf %convert_element_type3A_28, %add3A_145 : f32
    %broadcast_in_dim3A_147 = vector.broadcast %add3A_146 : f32 to vector<2048x128xf32>
    %select_n3A_148 = arith.select %lt3A_143, %broadcast_in_dim3A_147, %select_n3A_141 : vector<2048x128xi1>, vector<2048x128xf32>
    %slice3A_149 = vector.extract_strided_slice %dot_general3A_25 {offsets = [0, 2176], sizes = [2048, 128], strides = [1, 1]} : vector<2048x4096xf32> to vector<2048x128xf32>
    %lt3A_150 = arith.cmpf olt, %slice3A_149, %min3A_144 : vector<2048x128xf32>
    %min3A_151 = arith.minimumf %min3A_144, %slice3A_149 : vector<2048x128xf32>
    %add3A_152 = arith.constant 1.700000e+01 : f32
    %add3A_153 = arith.addf %convert_element_type3A_28, %add3A_152 : f32
    %broadcast_in_dim3A_154 = vector.broadcast %add3A_153 : f32 to vector<2048x128xf32>
    %select_n3A_155 = arith.select %lt3A_150, %broadcast_in_dim3A_154, %select_n3A_148 : vector<2048x128xi1>, vector<2048x128xf32>
    %slice3A_156 = vector.extract_strided_slice %dot_general3A_25 {offsets = [0, 2304], sizes = [2048, 128], strides = [1, 1]} : vector<2048x4096xf32> to vector<2048x128xf32>
    %lt3A_157 = arith.cmpf olt, %slice3A_156, %min3A_151 : vector<2048x128xf32>
    %min3A_158 = arith.minimumf %min3A_151, %slice3A_156 : vector<2048x128xf32>
    %add3A_159 = arith.constant 1.800000e+01 : f32
    %add3A_160 = arith.addf %convert_element_type3A_28, %add3A_159 : f32
    %broadcast_in_dim3A_161 = vector.broadcast %add3A_160 : f32 to vector<2048x128xf32>
    %select_n3A_162 = arith.select %lt3A_157, %broadcast_in_dim3A_161, %select_n3A_155 : vector<2048x128xi1>, vector<2048x128xf32>
    %slice3A_163 = vector.extract_strided_slice %dot_general3A_25 {offsets = [0, 2432], sizes = [2048, 128], strides = [1, 1]} : vector<2048x4096xf32> to vector<2048x128xf32>
    %lt3A_164 = arith.cmpf olt, %slice3A_163, %min3A_158 : vector<2048x128xf32>
    %min3A_165 = arith.minimumf %min3A_158, %slice3A_163 : vector<2048x128xf32>
    %add3A_166 = arith.constant 1.900000e+01 : f32
    %add3A_167 = arith.addf %convert_element_type3A_28, %add3A_166 : f32
    %broadcast_in_dim3A_168 = vector.broadcast %add3A_167 : f32 to vector<2048x128xf32>
    %select_n3A_169 = arith.select %lt3A_164, %broadcast_in_dim3A_168, %select_n3A_162 : vector<2048x128xi1>, vector<2048x128xf32>
    %slice3A_170 = vector.extract_strided_slice %dot_general3A_25 {offsets = [0, 2560], sizes = [2048, 128], strides = [1, 1]} : vector<2048x4096xf32> to vector<2048x128xf32>
    %lt3A_171 = arith.cmpf olt, %slice3A_170, %min3A_165 : vector<2048x128xf32>
    %min3A_172 = arith.minimumf %min3A_165, %slice3A_170 : vector<2048x128xf32>
    %add3A_173 = arith.constant 2.000000e+01 : f32
    %add3A_174 = arith.addf %convert_element_type3A_28, %add3A_173 : f32
    %broadcast_in_dim3A_175 = vector.broadcast %add3A_174 : f32 to vector<2048x128xf32>
    %select_n3A_176 = arith.select %lt3A_171, %broadcast_in_dim3A_175, %select_n3A_169 : vector<2048x128xi1>, vector<2048x128xf32>
    %slice3A_177 = vector.extract_strided_slice %dot_general3A_25 {offsets = [0, 2688], sizes = [2048, 128], strides = [1, 1]} : vector<2048x4096xf32> to vector<2048x128xf32>
    %lt3A_178 = arith.cmpf olt, %slice3A_177, %min3A_172 : vector<2048x128xf32>
    %min3A_179 = arith.minimumf %min3A_172, %slice3A_177 : vector<2048x128xf32>
    %add3A_180 = arith.constant 2.100000e+01 : f32
    %add3A_181 = arith.addf %convert_element_type3A_28, %add3A_180 : f32
    %broadcast_in_dim3A_182 = vector.broadcast %add3A_181 : f32 to vector<2048x128xf32>
    %select_n3A_183 = arith.select %lt3A_178, %broadcast_in_dim3A_182, %select_n3A_176 : vector<2048x128xi1>, vector<2048x128xf32>
    %slice3A_184 = vector.extract_strided_slice %dot_general3A_25 {offsets = [0, 2816], sizes = [2048, 128], strides = [1, 1]} : vector<2048x4096xf32> to vector<2048x128xf32>
    %lt3A_185 = arith.cmpf olt, %slice3A_184, %min3A_179 : vector<2048x128xf32>
    %min3A_186 = arith.minimumf %min3A_179, %slice3A_184 : vector<2048x128xf32>
    %add3A_187 = arith.constant 2.200000e+01 : f32
    %add3A_188 = arith.addf %convert_element_type3A_28, %add3A_187 : f32
    %broadcast_in_dim3A_189 = vector.broadcast %add3A_188 : f32 to vector<2048x128xf32>
    %select_n3A_190 = arith.select %lt3A_185, %broadcast_in_dim3A_189, %select_n3A_183 : vector<2048x128xi1>, vector<2048x128xf32>
    %slice3A_191 = vector.extract_strided_slice %dot_general3A_25 {offsets = [0, 2944], sizes = [2048, 128], strides = [1, 1]} : vector<2048x4096xf32> to vector<2048x128xf32>
    %lt3A_192 = arith.cmpf olt, %slice3A_191, %min3A_186 : vector<2048x128xf32>
    %min3A_193 = arith.minimumf %min3A_186, %slice3A_191 : vector<2048x128xf32>
    %add3A_194 = arith.constant 2.300000e+01 : f32
    %add3A_195 = arith.addf %convert_element_type3A_28, %add3A_194 : f32
    %broadcast_in_dim3A_196 = vector.broadcast %add3A_195 : f32 to vector<2048x128xf32>
    %select_n3A_197 = arith.select %lt3A_192, %broadcast_in_dim3A_196, %select_n3A_190 : vector<2048x128xi1>, vector<2048x128xf32>
    %slice3A_198 = vector.extract_strided_slice %dot_general3A_25 {offsets = [0, 3072], sizes = [2048, 128], strides = [1, 1]} : vector<2048x4096xf32> to vector<2048x128xf32>
    %lt3A_199 = arith.cmpf olt, %slice3A_198, %min3A_193 : vector<2048x128xf32>
    %min3A_200 = arith.minimumf %min3A_193, %slice3A_198 : vector<2048x128xf32>
    %add3A_201 = arith.constant 2.400000e+01 : f32
    %add3A_202 = arith.addf %convert_element_type3A_28, %add3A_201 : f32
    %broadcast_in_dim3A_203 = vector.broadcast %add3A_202 : f32 to vector<2048x128xf32>
    %select_n3A_204 = arith.select %lt3A_199, %broadcast_in_dim3A_203, %select_n3A_197 : vector<2048x128xi1>, vector<2048x128xf32>
    %slice3A_205 = vector.extract_strided_slice %dot_general3A_25 {offsets = [0, 3200], sizes = [2048, 128], strides = [1, 1]} : vector<2048x4096xf32> to vector<2048x128xf32>
    %lt3A_206 = arith.cmpf olt, %slice3A_205, %min3A_200 : vector<2048x128xf32>
    %min3A_207 = arith.minimumf %min3A_200, %slice3A_205 : vector<2048x128xf32>
    %add3A_208 = arith.constant 2.500000e+01 : f32
    %add3A_209 = arith.addf %convert_element_type3A_28, %add3A_208 : f32
    %broadcast_in_dim3A_210 = vector.broadcast %add3A_209 : f32 to vector<2048x128xf32>
    %select_n3A_211 = arith.select %lt3A_206, %broadcast_in_dim3A_210, %select_n3A_204 : vector<2048x128xi1>, vector<2048x128xf32>
    %slice3A_212 = vector.extract_strided_slice %dot_general3A_25 {offsets = [0, 3328], sizes = [2048, 128], strides = [1, 1]} : vector<2048x4096xf32> to vector<2048x128xf32>
    %lt3A_213 = arith.cmpf olt, %slice3A_212, %min3A_207 : vector<2048x128xf32>
    %min3A_214 = arith.minimumf %min3A_207, %slice3A_212 : vector<2048x128xf32>
    %add3A_215 = arith.constant 2.600000e+01 : f32
    %add3A_216 = arith.addf %convert_element_type3A_28, %add3A_215 : f32
    %broadcast_in_dim3A_217 = vector.broadcast %add3A_216 : f32 to vector<2048x128xf32>
    %select_n3A_218 = arith.select %lt3A_213, %broadcast_in_dim3A_217, %select_n3A_211 : vector<2048x128xi1>, vector<2048x128xf32>
    %slice3A_219 = vector.extract_strided_slice %dot_general3A_25 {offsets = [0, 3456], sizes = [2048, 128], strides = [1, 1]} : vector<2048x4096xf32> to vector<2048x128xf32>
    %lt3A_220 = arith.cmpf olt, %slice3A_219, %min3A_214 : vector<2048x128xf32>
    %min3A_221 = arith.minimumf %min3A_214, %slice3A_219 : vector<2048x128xf32>
    %add3A_222 = arith.constant 2.700000e+01 : f32
    %add3A_223 = arith.addf %convert_element_type3A_28, %add3A_222 : f32
    %broadcast_in_dim3A_224 = vector.broadcast %add3A_223 : f32 to vector<2048x128xf32>
    %select_n3A_225 = arith.select %lt3A_220, %broadcast_in_dim3A_224, %select_n3A_218 : vector<2048x128xi1>, vector<2048x128xf32>
    %slice3A_226 = vector.extract_strided_slice %dot_general3A_25 {offsets = [0, 3584], sizes = [2048, 128], strides = [1, 1]} : vector<2048x4096xf32> to vector<2048x128xf32>
    %lt3A_227 = arith.cmpf olt, %slice3A_226, %min3A_221 : vector<2048x128xf32>
    %min3A_228 = arith.minimumf %min3A_221, %slice3A_226 : vector<2048x128xf32>
    %add3A_229 = arith.constant 2.800000e+01 : f32
    %add3A_230 = arith.addf %convert_element_type3A_28, %add3A_229 : f32
    %broadcast_in_dim3A_231 = vector.broadcast %add3A_230 : f32 to vector<2048x128xf32>
    %select_n3A_232 = arith.select %lt3A_227, %broadcast_in_dim3A_231, %select_n3A_225 : vector<2048x128xi1>, vector<2048x128xf32>
    %slice3A_233 = vector.extract_strided_slice %dot_general3A_25 {offsets = [0, 3712], sizes = [2048, 128], strides = [1, 1]} : vector<2048x4096xf32> to vector<2048x128xf32>
    %lt3A_234 = arith.cmpf olt, %slice3A_233, %min3A_228 : vector<2048x128xf32>
    %min3A_235 = arith.minimumf %min3A_228, %slice3A_233 : vector<2048x128xf32>
    %add3A_236 = arith.constant 2.900000e+01 : f32
    %add3A_237 = arith.addf %convert_element_type3A_28, %add3A_236 : f32
    %broadcast_in_dim3A_238 = vector.broadcast %add3A_237 : f32 to vector<2048x128xf32>
    %select_n3A_239 = arith.select %lt3A_234, %broadcast_in_dim3A_238, %select_n3A_232 : vector<2048x128xi1>, vector<2048x128xf32>
    %slice3A_240 = vector.extract_strided_slice %dot_general3A_25 {offsets = [0, 3840], sizes = [2048, 128], strides = [1, 1]} : vector<2048x4096xf32> to vector<2048x128xf32>
    %lt3A_241 = arith.cmpf olt, %slice3A_240, %min3A_235 : vector<2048x128xf32>
    %min3A_242 = arith.minimumf %min3A_235, %slice3A_240 : vector<2048x128xf32>
    %add3A_243 = arith.constant 3.000000e+01 : f32
    %add3A_244 = arith.addf %convert_element_type3A_28, %add3A_243 : f32
    %broadcast_in_dim3A_245 = vector.broadcast %add3A_244 : f32 to vector<2048x128xf32>
    %select_n3A_246 = arith.select %lt3A_241, %broadcast_in_dim3A_245, %select_n3A_239 : vector<2048x128xi1>, vector<2048x128xf32>
    %slice3A_247 = vector.extract_strided_slice %dot_general3A_25 {offsets = [0, 3968], sizes = [2048, 128], strides = [1, 1]} : vector<2048x4096xf32> to vector<2048x128xf32>
    %lt3A_248 = arith.cmpf olt, %slice3A_247, %min3A_242 : vector<2048x128xf32>
    %min3A_249 = arith.minimumf %min3A_242, %slice3A_247 : vector<2048x128xf32>
    %add3A_250 = arith.constant 3.100000e+01 : f32
    %add3A_251 = arith.addf %convert_element_type3A_28, %add3A_250 : f32
    %broadcast_in_dim3A_252 = vector.broadcast %add3A_251 : f32 to vector<2048x128xf32>
    %select_n3A_253 = arith.select %lt3A_248, %broadcast_in_dim3A_252, %select_n3A_246 : vector<2048x128xi1>, vector<2048x128xf32>
    %swap3A_254 = arith.constant 0 : index
    %swap3A_255 = arith.constant 0 : index
    %swap3A_256 = vector.load %arg9[%swap3A_254, %swap3A_255] : memref<2048x128xf32, #tpu.memory_space<vmem>>, vector<2048x128xf32>
    tpu.vector_store %arg9[%swap3A_254, %swap3A_255], %min3A_249 {strides = array<i32>} : memref<2048x128xf32, #tpu.memory_space<vmem>>, vector<2048x128xf32>,
    %swap3A_257 = arith.constant 0 : index
    %swap3A_258 = arith.constant 0 : index
    %swap3A_259 = vector.load %arg10[%swap3A_257, %swap3A_258] : memref<2048x128xf32, #tpu.memory_space<vmem>>, vector<2048x128xf32>
    tpu.vector_store %arg10[%swap3A_257, %swap3A_258], %select_n3A_253 {strides = array<i32>} : memref<2048x128xf32, #tpu.memory_space<vmem>>, vector<2048x128xf32>,
    %eq3A_260 = arith.constant 1 : i32
    %eq3A_261 = arith.cmpi eq, %arg1, %eq3A_260 : i32
    %convert_element_type3A_262 = arith.extui %eq3A_261 : i1 to i32
    %cond3A_263 = arith.constant 0 : i32
    %cond3A_264 = arith.cmpi ne, %convert_element_type3A_262, %cond3A_263 : i32
    scf.if %cond3A_264 {
      %reduce_min3A = arith.constant dense<0x7F800000> : vector<2048xf32>
      %reduce_min3A_265 = vector.multi_reduction <minimumf>, %min3A_249, %reduce_min3A [1] : vector<2048x128xf32> to vector<2048xf32>
      %broadcast_in_dim3A_266 = vector.shape_cast %reduce_min3A_265 : vector<2048xf32> to vector<2048x1xf32>
      %iota3A = tpu.iota {dimensions = array<i32: 1>} : vector<2048x128xi32>
      %convert_element_type3A_267 = arith.sitofp %iota3A : vector<2048x128xi32> to vector<2048x128xf32>
      %mul3A_268 = arith.constant 1.280000e+02 : f32
      %mul3A_269 = vector.broadcast %mul3A_268 : f32 to vector<2048x128xf32>
      %mul3A_270 = arith.mulf %select_n3A_253, %mul3A_269 : vector<2048x128xf32>
      %add3A_271 = arith.addf %mul3A_270, %convert_element_type3A_267 : vector<2048x128xf32>
      %eq3A_272 = vector.broadcast %broadcast_in_dim3A_266 : vector<2048x1xf32> to vector<2048x128xf32>
      %eq3A_273 = arith.cmpf oeq, %min3A_249, %eq3A_272 : vector<2048x128xf32>
      %jit3A = arith.constant 3.000000e+38 : f32
      %broadcast_in_dim3A_274 = vector.broadcast %jit3A : f32 to vector<2048x128xf32>
      %select_n3A_275 = arith.select %eq3A_273, %add3A_271, %broadcast_in_dim3A_274 : vector<2048x128xi1>, vector<2048x128xf32>
      %reduce_min3A_276 = arith.constant dense<0x7F800000> : vector<2048xf32>
      %reduce_min3A_277 = vector.multi_reduction <minimumf>, %select_n3A_275, %reduce_min3A_276 [1] : vector<2048x128xf32> to vector<2048xf32>
      %broadcast_in_dim3A_278 = vector.shape_cast %reduce_min3A_277 : vector<2048xf32> to vector<2048x1xf32>
      %convert_element_type3A_279 = arith.fptosi %broadcast_in_dim3A_278 : vector<2048x1xf32> to vector<2048x1xi32>
      %reshape3A = vector.shape_cast %convert_element_type3A_279 : vector<2048x1xi32> to vector<16x128xi32>
      %swap3A_280 = arith.constant 0 : index
      %swap3A_281 = arith.constant 0 : index
      %swap3A_282 = vector.load %arg5[%swap3A_280, %swap3A_281] : memref<16x128xi32, #tpu.memory_space<vmem>>, vector<16x128xi32>
      tpu.vector_store %arg5[%swap3A_280, %swap3A_281], %reshape3A {strides = array<i32>} : memref<16x128xi32, #tpu.memory_space<vmem>>, vector<16x128xi32>,
      %reduce_sum3A = vector.shape_cast %broadcast_in_dim3A_266 : vector<2048x1xf32> to vector<1x2048x1xf32>
      %reduce_sum3A_283 = arith.constant dense<0.000000e+00> : vector<1xf32>
      %reduce_sum3A_284 = vector.multi_reduction <add>, %reduce_sum3A, %reduce_sum3A_283 [1, 2] : vector<1x2048x1xf32> to vector<1xf32>
      %reduce_sum3A_285 = vector.shape_cast %reduce_sum3A_284 : vector<1xf32> to vector<1x1x1xf32>
      %reduce_sum3A_286 = vector.extract %reduce_sum3A_285[0, 0, 0] : f32 from vector<1x1x1xf32>
      %eq3A_287 = arith.constant 0 : i32
      %eq3A_288 = arith.cmpi eq, %arg0, %eq3A_287 : i32
      %convert_element_type3A_289 = arith.extui %eq3A_288 : i1 to i32
      %cond3A_290 = arith.constant 0 : i32
      %cond3A_291 = arith.cmpi ne, %convert_element_type3A_289, %cond3A_290 : i32
      scf.if %cond3A_291 {
        %swap3A_301 = arith.constant 0 : index
        %swap3A_302 = arith.constant 0 : index
        %swap3A_303 = memref.load %arg11[%swap3A_301, %swap3A_302] : memref<1x1xf32, #tpu.memory_space<smem>>
        memref.store %reduce_sum3A_286, %arg11[%swap3A_301, %swap3A_302] : memref<1x1xf32, #tpu.memory_space<smem>>
      } else {
      }
      %gt3A = arith.constant 0 : i32
      %gt3A_292 = arith.cmpi sgt, %arg0, %gt3A : i32
      %convert_element_type3A_293 = arith.extui %gt3A_292 : i1 to i32
      %cond3A_294 = arith.constant 0 : i32
      %cond3A_295 = arith.cmpi ne, %convert_element_type3A_293, %cond3A_294 : i32
      scf.if %cond3A_295 {
        %get3A_301 = arith.constant 0 : index
        %get3A_302 = arith.constant 0 : index
        %get3A_303 = memref.load %arg11[%get3A_301, %get3A_302] : memref<1x1xf32, #tpu.memory_space<smem>>
        %add3A_304 = arith.addf %get3A_303, %reduce_sum3A_286 : f32
        %swap3A_305 = arith.constant 0 : index
        %swap3A_306 = arith.constant 0 : index
        %swap3A_307 = memref.load %arg11[%swap3A_305, %swap3A_306] : memref<1x1xf32, #tpu.memory_space<smem>>
        memref.store %add3A_304, %arg11[%swap3A_305, %swap3A_306] : memref<1x1xf32, #tpu.memory_space<smem>>
      } else {
      }
      %eq3A_296 = arith.constant 3 : i32
      %eq3A_297 = arith.cmpi eq, %arg0, %eq3A_296 : i32
      %convert_element_type3A_298 = arith.extui %eq3A_297 : i1 to i32
      %cond3A_299 = arith.constant 0 : i32
      %cond3A_300 = arith.cmpi ne, %convert_element_type3A_298, %cond3A_299 : i32
      scf.if %cond3A_300 {
        %get3A_301 = arith.constant 0 : index
        %get3A_302 = arith.constant 0 : index
        %get3A_303 = memref.load %arg11[%get3A_301, %get3A_302] : memref<1x1xf32, #tpu.memory_space<smem>>
        %mul3A_304 = arith.constant 1.250000e+00 : f32
        %mul3A_305 = arith.mulf %mul3A_304, %get3A_303 : f32
        %div3A = arith.constant 5.242880e+05 : f32
        %div3A_306 = arith.divf %mul3A_305, %div3A : f32
        %swap3A_307 = arith.constant 0 : index
        %swap3A_308 = arith.constant 0 : index
        %swap3A_309 = memref.load %arg6[%swap3A_307, %swap3A_308] : memref<1x1xf32, #tpu.memory_space<smem>>
        memref.store %div3A_306, %arg6[%swap3A_307, %swap3A_308] : memref<1x1xf32, #tpu.memory_space<smem>>
      } else {
      }
    } else {
    }
    return
  }
  func.func @transform_0(%arg0: i32, %arg1: i32) -> (i32, i32) {
    %c0_i32 = arith.constant 0 : i32
    %c0_i32_0 = arith.constant 0 : i32
    return %arg0, %c0_i32 : i32, i32
  }
  func.func @transform_1(%arg0: i32, %arg1: i32) -> (i32, i32) {
    %c0_i32 = arith.constant 0 : i32
    %c0_i32_0 = arith.constant 0 : i32
    return %arg1, %c0_i32 : i32, i32
  }
  func.func @transform_2(%arg0: i32, %arg1: i32) -> (i32, i32) {
    %mul3A = arith.constant 2 : i32
    %mul3A_0 = arith.muli %arg0, %mul3A : i32
    %add3A = arith.addi %mul3A_0, %arg1 : i32
    %c0_i32 = arith.constant 0 : i32
    %c0_i32_1 = arith.constant 0 : i32
    return %add3A, %c0_i32 : i32, i32
  }
  func.func @transform_3(%arg0: i32, %arg1: i32) -> (i32, i32) {
    %c0_i32 = arith.constant 0 : i32
    %c0_i32_0 = arith.constant 0 : i32
    return %arg0, %c0_i32 : i32, i32
  }
  func.func @transform_4(%arg0: i32, %arg1: i32) -> (i32, i32) {
    %c0_i32 = arith.constant 0 : i32
    %c0_i32_0 = arith.constant 0 : i32
    %c0_i32_1 = arith.constant 0 : i32
    return %c0_i32, %c0_i32_0 : i32, i32
  }
}

</mosaic_0001>

<sc_bundles>
// kernel: kernel.4.cloned.1.call-start
scs
__scs_entry_jumppad:
0x0: {  	(pc) =	sbr.rel $0x88, $3  }
0x1: {  	(tag) =	ssettag $0x0;
	lr =	simm.s32 $0x1  }
0x2: {  	[smem:$0x3F9F] =	sst lr;
	_ =	strace $0xD0000000  }
0x3: {  	_ = 	snop  }
0x4: {  	_ = 	snop  }
0x5: {  	_ = 	snop  }
0x6: {  	_ = 	snop  }
0x7: {  	_ = 	snop  }
__scs_overlays_trampoline_lowered:
0x8: {  	[smem:$0x3FAE] =	sst s0  }
0x9: {  	[smem:$0x3FAF] =	sst s1  }
0xa: {  	[smem:$0x3FB0] =	sst s2  }
0xb: {  	[smem:$0x3FB1] =	sst s3  }
0xc: {  	[smem:$0x3FB2] =	sst s4  }
0xd: {  	[smem:$0x3FB3] =	sst s5  }
0xe: {  	[smem:$0x3FB4] =	sst s6  }
0xf: {  	[smem:$0x3FB5] =	sst s7  }
0x10: {  	[smem:$0x3FB6] =	sst s8  }
0x11: {  	[smem:$0x3FB7] =	sst s9;
	s0 =	simm.s32 @!p0 $0x0  }
0x12: {  	s1 =	sld [smem:$0x3F9D];
	s0 =	simm.s32 @p0 $0x1  }
0x13: {  	[smem:$0x3FB8] =	sst s0;
	s0 =	simm.s32 @!p1 $0x0  }
0x14: {  	s2 =	sld [smem:$0x3F9C];
	s0 =	simm.s32 @p1 $0x1  }
0x15: {  	[smem:$0x3FB9] =	sst s0;
	s0 =	simm.s32 @!p2 $0x0  }
0x16: {  	s3 =	sld [smem:$0x3FDB];
	s0 =	simm.s32 @p2 $0x1  }
0x17: {  	s4 =	simm.s32 $0x1BF5;
	[smem:$0x3FBB] =	sst s0  }
0x18: {  	s0 =	sld [smem:$0x3F9E];
	_ =	swait.ge [sflag:s4], $0x0  }
0x19: {  	s7 =	sld [smem:$0x3F9F]  }
0x1a: {  	s8 =	sadd.s32 $0xFFFFE003, lr  }
0x1b: {  	s9 =	sadd.s32 $0xFFFFFEF7, lr;
	s5 =	simm.s32 $0xFFFFFFFF;
	p2 =	slt.u32 s8, $0xFFFFF086  }
0x1c: {  	p1 =	slt.u32 s9, $0xF7A;
	s5 =	simm.s32 @!p2 $0x0  }
0x1d: {  	s5 =	simm.s32 @p1 $0x1;
	p0 =	seq.s32 s7, s2  }
0x1e: {  	s7 =	smul.u32 @!p0 $0xF7A, s2;
	p2 =	seq.s32 @!p0 s5, $0x0  }
0x1f: {  	s9 =	smul.u32 $0xF7A, s1;
	s8 =	simm.s32 @!p0 $0x1BF5;
	p2 =	por !p2, p0  }
0x20: {  	[sflag:s8] =	ssyncset.s32 @!p0 $0xFFFFF086;
	s6 =	sadd.s32 @!p0 s3, s7;
	s7 =	simm.s32 @!p0 $0x108  }
0x21: {  	s3 =	sadd.s32 s3, s9;
	s6 =	sadd.s32 @!p0 $0x88, s6;
	s7 =	simm.s32 @p2 $0x1082  }
0x22: {  	[simem:s7], [sflag:s8] =	dma.local @!p0 [hbm:s6], $0xF7A  }
0x23: {  	s9 =	sor.u32 $0xD0000000, s2;
	s6 =	simm.s32 $0x108;
	_ =	swait.ge @!p0 [sflag:s8], $0x0  }
0x24: {  	s3 =	sadd.s32 $0x88, s3;
	s6 =	simm.s32 @!p1 $0x1082;
	[sflag:s4] =	ssyncset.s32 $0xFFFFF086  }
0x25: {  	[simem:s6], [sflag:s4] =	dma.local [hbm:s3], $0xF7A  }
0x26: {  	[smem:$0x3F9F] =	sst s1;
	(tag) =	ssettag s2;
	_ =	strace s9  }
0x27: {  	s1 =	sld [smem:$0x3FAF]  }
0x28: {  	s2 =	sld [smem:$0x3FB0]  }
0x29: {  	s4 =	sld [smem:$0x3FB2]  }
0x2a: {  	p0 =	seq.s32 s5, $0x0;
	s5 =	sld [smem:$0x3FB3]  }
0x2b: {  	s6 =	sld [smem:$0x3FB4]  }
0x2c: {  	s7 =	sld [smem:$0x3FB5]  }
0x2d: {  	s3 =	simm.s32 $0x108;
	s8 =	sld [smem:$0x3FB6]  }
0x2e: {  	s3 =	simm.s32 @!p0 $0x1082;
	s9 =	sld [smem:$0x3FB7]  }
0x2f: {  	lr =	sadd.s32 s0, s3;
	s0 =	sld [smem:$0x3FAE]  }
0x30: {  	s3 =	sld [smem:$0x3FB1]  }
0x31: {  	[smem:$0x3FBA] =	sst s10  }
0x32: {  	s10 =	sld [smem:$0x3FB8];
	_ =	sdelay $0x3  }
0x33: {  	p0 =	seq.s32 s10, $0x1;
	s10 =	sld [smem:$0x3FBA];
	_ =	sdelay $0x3  }
0x34: {  	[smem:$0x3FBA] =	sst s10  }
0x35: {  	s10 =	sld [smem:$0x3FB9];
	_ =	sdelay $0x3  }
0x36: {  	p1 =	seq.s32 s10, $0x1;
	s10 =	sld [smem:$0x3FBA];
	_ =	sdelay $0x3  }
0x37: {  	[smem:$0x3FBA] =	sst s10  }
0x38: {  	s10 =	sld [smem:$0x3FBB]  }
0x39: {  	_ = 	snop;
	(pc) =	sbr.ind lr, $3  }
0x3a: {  	_ = 	snop  }
0x3b: {  	_ = 	snop  }
0x3c: {  	p2 =	seq.s32 s10, $0x1;
	s10 =	sld [smem:$0x3FBA]  }
0x3d: {  	_ =	shalt  }
0x3e: {  	_ =	shalt  }
0x3f: {  	_ =	shalt  }
0x40: {  	_ =	shalt  }
0x41: {  	_ =	shalt  }
0x42: {  	_ =	shalt  }
0x43: {  	_ =	shalt  }
0x44: {  	_ =	shalt  }
0x45: {  	_ =	shalt  }
0x46: {  	_ =	shalt  }
0x47: {  	_ =	shalt  }
0x48: {  	_ =	shalt  }
0x49: {  	_ =	shalt  }
0x4a: {  	_ =	shalt  }
0x4b: {  	_ =	shalt  }
0x4c: {  	_ =	shalt  }
0x4d: {  	_ =	shalt  }
0x4e: {  	_ =	shalt  }
0x4f: {  	_ =	shalt  }
0x50: {  	_ =	shalt  }
0x51: {  	_ =	shalt  }
0x52: {  	_ =	shalt  }
0x53: {  	_ =	shalt  }
0x54: {  	_ =	shalt  }
0x55: {  	_ =	shalt  }
0x56: {  	_ =	shalt  }
0x57: {  	_ =	shalt  }
0x58: {  	_ =	shalt  }
0x59: {  	_ =	shalt  }
0x5a: {  	_ =	shalt  }
0x5b: {  	_ =	shalt  }
0x5c: {  	_ =	shalt  }
0x5d: {  	_ =	shalt  }
0x5e: {  	_ =	shalt  }
0x5f: {  	_ =	shalt  }
0x60: {  	_ =	shalt  }
0x61: {  	_ =	shalt  }
0x62: {  	_ =	shalt  }
0x63: {  	_ =	shalt  }
0x64: {  	_ =	shalt  }
0x65: {  	_ =	shalt  }
0x66: {  	_ =	shalt  }
0x67: {  	_ =	shalt  }
0x68: {  	_ =	shalt  }
0x69: {  	_ =	shalt  }
0x6a: {  	_ =	shalt  }
0x6b: {  	_ =	shalt  }
0x6c: {  	_ =	shalt  }
0x6d: {  	_ =	shalt  }
0x6e: {  	_ =	shalt  }
0x6f: {  	_ =	shalt  }
0x70: {  	_ =	shalt  }
0x71: {  	_ =	shalt  }
0x72: {  	_ =	shalt  }
0x73: {  	_ =	shalt  }
0x74: {  	_ =	shalt  }
0x75: {  	_ =	shalt  }
0x76: {  	_ =	shalt  }
0x77: {  	_ =	shalt  }
0x78: {  	_ =	shalt  }
0x79: {  	_ =	shalt  }
0x7a: {  	_ =	shalt  }
0x7b: {  	_ =	shalt  }
0x7c: {  	_ =	shalt  }
0x7d: {  	_ =	shalt  }
0x7e: {  	_ =	shalt  }
0x7f: {  	_ =	shalt  }
0x80: {  	_ =	shalt  }
0x81: {  	_ =	shalt  }
0x82: {  	_ =	shalt  }
0x83: {  	_ =	shalt  }
0x84: {  	_ =	shalt  }
0x85: {  	_ =	shalt  }
0x86: {  	_ =	shalt  }
0x87: {  	_ =	shalt  }
.Lfunc_end0:
.L_simem_size_0:
called_computation_lowered:
.L_overlay_start_0:
0x88: {  	s2 =	sld [smem:$0x3FD9]  }
0x89: {  	s3 =	sld [smem:$0x3FFE];
	_ =	sdelay $0x1  }
0x8a: {  	s1 =	srdreg.scid  }
0x8b: {  	s0 =	sand.u32 $0x1, s1  }
0x8c: {  	s14 =	sshll.u32 s0, $0xA;
	s2 =	sadd.s32 s3, s2  }
0x8d: {  	s2 =	sadd.s32 s2, s14  }
0x8e: {  	[smem:$0x3FC6] =	sst s2  }
0x8f: {  	_ = 	snop  }
0x90: {  	s2 =	sld [smem:$0x3FD0];
	_ =	sdelay $0x2  }
0x91: {  	s15 =	simm.s32 $0xA;
	s4 =	simm.s32 $0x10  }
0x92: {  	[smem:s4], [sflag:s15] =	dma.local [hbm:s2], $0x1  }
0x93: {  	_ =	swait.eq [sflag:s15], $0x1  }
0x94: {  	[sflag:s15] =	ssyncset.done $0x0  }
0x95: {  	[sflag:s15] =	ssyncadd.s32 $0xFFFFFFFF  }
0x96: {  	s16 =	sld [smem:$0x10];
	(tm) =	ssettm $0x1  }
0x97: {  	s17 =	sld [smem:$0x3FFB];
	_ =	sdelay $0x3  }
0x98: {  	_ =	strace s17  }
0x99: {  	s3 =	sld [smem:$0x3FFC];
	_ =	sdelay $0x3  }
0x9a: {  	_ =	strace s3  }
0x9b: {  	s3 =	sld [smem:$0x3FFD];
	_ =	sdelay $0x3  }
0x9c: {  	_ =	strace s3  }
0x9d: {  	_ =	strace $0x8FFFFFFF  }
0x9e: {  	s18 =	sld [smem:$0x3FDB];
	_ =	sdelay $0x1  }
0x9f: {  	s19 =	simm.s32 $_scs_section_size  }
0xa0: {  	s5 =	simm.s32 $_size__tile_overlayer_lowered;
	s6 =	simm.s32 $_tile_overlayer_lowered  }
0xa1: {  	s22 =	simm.s32 $0x1BFF;
	s21 =	sshll.u32 s6, $0x1;
	s3 =	sadd.s32 s19, s18  }
0xa2: {  	s7 =	simm.s32 $0x0;
	s20 =	sshll.u32 s5, $0x1;
	s5 =	sadd.s32 s21, s3  }
0xa3: {  	[timem:s7], [sflag:s22] =	dma.local [hbm:s5], s20  }
0xa4: {  	_ =	swait.ge [sflag:s22], s20  }
0xa5: {  	s4 =	ssub.s32 $0x0, s20;
	[sflag:s22] =	ssyncset.done $0x0  }
0xa6: {  	[sflag:s22] =	ssyncadd.s32 s4;
	_ =	sdelay $0x1  }
0xa7: {  	s23 =	simm.s32 $0x1B8B  }
0xa8: {  	_ =	swait.ge [sflag:s23], $0x1  }
0xa9: {  	[sflag:s23] =	ssyncset.done $0x0  }
0xaa: {  	s25 =	simm.s32 $0x1B8E;
	s24 =	sld [smem:$0x3FFE];
	[sflag:s23] =	ssyncadd.s32 $0xFFFFFFFF  }
0xab: {  	s26 =	simm.s32 $execute0_lowered;
	[smem:$0x3FD2] =	sst s25  }
0xac: {  	s5 =	sshll.u32 s26, $0x1;
	_ =	strace $0x80000046;
	[dreg:$0x1] =	wrdreg $0xFFFFFFFF  }
0xad: {  	s28 =	simm.s32 $_size_execute0_lowered;
	s3 =	sadd.s32 s3, s5;
	[dreg:$0x0] =	wrdreg $0x0  }
0xae: {  	s5 =	sshll.u32 s28, $0x1;
	[dreg:$0x2] =	wrdreg s3  }
0xaf: {  	[dreg:$0x3] =	wrdreg s5  }
0xb0: {  	[dreg:$0x4] =	wrdreg $0xC0  }
0xb1: {  	_ =	task [dreg:s7], $0x5FFFF  }
0xb2: {  	[dreg:$0x1] =	wrdreg $0xFFFFFFFF  }
0xb3: {  	[dreg:$0x0] =	wrdreg $0x60  }
0xb4: {  	[dreg:$0x2] =	wrdreg s24  }
0xb5: {  	[dreg:$0x3] =	wrdreg s16  }
0xb6: {  	[dreg:$0x4] =	wrdreg $0x9  }
0xb7: {  	_ =	task.clear_ibuf [dreg:s7], $0x5FFFF;
	_ =	strace $0x90000046  }
0xb8: {  	s29 =	simm.s32 $0x9;
	_ =	strace $0x80000048  }
0xb9: {  	_ =	swait.ge [sflag:s29], $0x1  }
0xba: {  	[sflag:s29] =	ssyncadd.s32 $0xFFFFFFFF  }
0xbb: {  	_ =	strace $0x90000048  }
0xbc: {  	_ =	sfence  }
0xbd: {  	s30 =	sld [smem:$0x0];
	_ =	sdelay $0x2  }
0xbe: {  	s31 =	sshll.u32 s1, $0xD;
	s1 =	sshrl.u32 s1, $0x2  }
0xbf: {  	s3 =	sand.u32 $0x4000, s31;
	s1 =	sadd.s32 s1, s30  }
0xc0: {  	s0 =	sor.u32 s3, s0;
	s1 =	sshll.u32 s1, $0x11  }
0xc1: {  	s0 =	sor.u32 s1, s0  }
0xc2: {  	s0 =	sadd.s32 $0x8F2B, s0  }
0xc3: {  	[sflag:s0] =	ssyncadd.remote.s32 $0x1  }
0xc4: {  	_ =	sfence.sel $0xFFFF  }
0xc5: {  	[dreg:$0x0] =	wrdreg $0xFFFFFFFF;
	(pc) =	sbr.abs _section_cstart, $3  }
0xc6: {  	[dreg:$0x1] =	wrdreg $0xFFFFFFFF  }
0xc7: {  	_ =	task.clear_ibuf [dreg:s7], $0x2FFFF;
	_ =	strace $0x9FFFFFFF  }
0xc8: {  	(tm) =	ssettm $0x7FFFFFFF  }
0xc9: {  	_ =	shalt  }
tec
execute0_lowered:
.L_overlay_start_1:
0x0: {  	(tag) =	ssettag $0x1  }
0x1: {  	s4 =	rddreg [dreg:$0x0]  }
0x2: {  	s7 =	rddreg [dreg:$0x1]  }
0x3: {  	s0 =	rddreg [dreg:$0x2]  }
0x4: {  	s2 =	simm.s32 $0x0;
	s3 =	srdreg.scid;
	s1 =	stileid.u32  }
0x5: {  	[smem:$0x7FF] =	sst s2;
	s3 =	sand.u32 $0x1, s3;
	s6 =	sshll.u32 s1, $0x9  }
0x6: {  	s29 =	sadd.s32 $0x60A00, s4;
	s5 =	ssub.s32 $0x2, s3;
	s8 =	sshll.u32 s3, $0x8  }
0x7: {  	_ =	strace $0x80000047;
	s9 =	sshrl.u32 s5, $0x1;
	s6 =	sor.u32 s8, s6  }
0x8: {  	s3 =	sadd.s32 $0x40A00, s4;
	s9 =	ssub.s32 s5, s9;
	s30 =	sshrl.u32 s6, $0x3  }
0x9: {  	s31 =	sshll.u32 s6, $0x3;
	s6 =	sor.u32 $0x80, s6;
	s4 =	sadd.s32 s29, s30  }
0xa: {  	s5 =	sadd.s32 s7, s31;
	s10 =	sshrl.u32 s6, $0x3;
	s11 =	sshll.u32 s6, $0x3  }
0xb: {  	s8 =	smax.u32 s9, $0x1;
	s9 =	simm.s32 $0x2;
	s6 =	sadd.s32 s29, s10  }
0xc: {  	s7 =	sadd.s32 s7, s11;
	s10 =	simm.s32 $0x1;
	s11 =	simm.s32 $0x0  }
.LBB2_1:
0xd: {  	[tilespmem:s2], [sflag:$0x2] =	stream.linear.gather [hbm4b:s4+s2], $0x80, $0x38;
	[tilespmem:$0x4080] =	vst v63  }
0xe: {  	_ =	swait.ge [sflag:s9], $0x80  }
0xf: {  	[sflag:s9] =	ssyncset.done $0x0  }
0x10: {  	s12 =	simm.s32 $0x80;
	[sflag:s9] =	ssyncadd.s32 $0xFFFFFF80  }
0x11: {  	[tilespmem:s12], [sflag:$0x1] =	stream.indirect.gather [hbm4b:s3+s12], $0x80, s2, s12, $0xb8;
	[tilespmem:$0x4080] =	vst v63  }
0x12: {  	_ =	swait.ge [sflag:s10], $0x4000  }
0x13: {  	s13 =	simm.s32 $0x8;
	[sflag:s10] =	ssyncset.done $0x0  }
0x14: {  	s15 =	sadd.s32 $0x0, s5;
	s14 =	simm.s32 $0x100;
	[sflag:s10] =	ssyncadd.s32 $0xFFFFC000  }
.LBB2_2:
0x15: {  	[hbm4b:s15+s2] =	stream.linear.scatter [tilespmem:s12], [sflag:$0x2], $0x40, $0x38;
	[tilespmem:$0x4080] =	vst v63  }
0x16: {  	s15 =	smov.u32 s13;
	s12 =	smov.u32 s14;
	p0 =	sne.s32 s13, $0x3F8  }
.Ltmp0:
0x17: {  	s13 =	sadd.s32 $0x8, s13;
	(pc) =	sbr.rel @p0 .LBB2_2-.Ltmp0, $2  }
0x18: {  	_ =	sdelay $0x2  }
0x19: {  	s14 =	sadd.s32 $0x80, s14;
	s15 =	sadd.s32 s15, s5  }
0x1a: {  	[hbm4b:s15+s2] =	stream.linear.scatter [tilespmem:s12], [sflag:$0x2], $0x40, $0x38;
	[tilespmem:$0x4080] =	vst v63  }
0x1b: {  	_ =	swait.ge [sflag:s9], $0x2000  }
0x1c: {  	[sflag:s9] =	ssyncset.done $0x0  }
0x1d: {  	s13 =	simm.s32 $0x0;
	[sflag:s9] =	ssyncadd.s32 $0xFFFFE000  }
0x1e: {  	[tilespmem:s13], [sflag:$0x2] =	stream.linear.gather [hbm4b:s6+s13], $0x80, $0x38;
	[tilespmem:$0x4080] =	vst v63  }
0x1f: {  	_ =	swait.ge [sflag:s9], $0x80  }
0x20: {  	[sflag:s9] =	ssyncset.done $0x0  }
0x21: {  	s12 =	simm.s32 $0x80;
	[sflag:s9] =	ssyncadd.s32 $0xFFFFFF80  }
0x22: {  	[tilespmem:s12], [sflag:$0x1] =	stream.indirect.gather [hbm4b:s3+s12], $0x80, s13, s12, $0xb8;
	[tilespmem:$0x4080] =	vst v63  }
0x23: {  	_ =	swait.ge [sflag:s10], $0x4000  }
0x24: {  	s15 =	sadd.s32 $0x0, s7;
	[sflag:s10] =	ssyncset.done $0x0  }
0x25: {  	s14 =	simm.s32 $0x100;
	s13 =	simm.s32 $0x8;
	[sflag:s10] =	ssyncadd.s32 $0xFFFFC000  }
.LBB2_4:
0x26: {  	[hbm4b:s15+s2] =	stream.linear.scatter [tilespmem:s12], [sflag:$0x2], $0x40, $0x38;
	[tilespmem:$0x4080] =	vst v63  }
0x27: {  	s15 =	smov.u32 s13;
	s12 =	smov.u32 s14;
	p0 =	sne.s32 s13, $0x3F8  }
.Ltmp1:
0x28: {  	s13 =	sadd.s32 $0x8, s13;
	(pc) =	sbr.rel @p0 .LBB2_4-.Ltmp1, $2  }
0x29: {  	_ =	sdelay $0x2  }
0x2a: {  	s14 =	sadd.s32 $0x80, s14;
	s15 =	sadd.s32 s15, s7  }
0x2b: {  	s11 =	sadd.s32 $0x1, s11  }
0x2c: {  	p0 =	sne.s32 s11, s8  }
.Ltmp2:
0x2d: {  	_ = 	snop;
	(pc) =	sbr.rel @p0 .LBB2_1-.Ltmp2, $4  }
0x2e: {  	[hbm4b:s15+s2] =	stream.linear.scatter [tilespmem:s12], [sflag:$0x2], $0x40, $0x38;
	[tilespmem:$0x4080] =	vst v63  }
0x2f: {  	_ =	swait.ge [sflag:s9], $0x2000  }
0x30: {  	[sflag:s9] =	ssyncset.done $0x0  }
0x31: {  	[sflag:s9] =	ssyncadd.s32 $0xFFFFE000  }
0x32: {  	_ =	sfence.sel $0x180000  }
0x33: {  	[bflag:$0x0] =	sbarrier.arrive $0xFFFF  }
0x34: {  	p0 =	sne.s32 s1, $0x0;
	_ =	strace $0x90000047  }
0x35: {  	s0 =	sadd.s32 @!p0 $0x100000, s0;
	[bflag:$0x2] =	sbarrier.arrive $0xFFFF  }
0x36: {  	[sflag:s0] =	ssyncadd.tile.s32 @!p0 $0x1;
	_ =	shalt  }
.Lfunc_end2:
_tile_overlayer_lowered:
.L_overlay_start_2:
0x37: {  	(tag) =	ssettag $0x2  }
0x38: {  	s0 =	rddreg [dreg:$0x0];
	s2 =	stileid.u32  }
0x39: {  	s1 =	rddreg [dreg:$0x1];
	p0 =	sne.s32 s2, $0x0  }
0x3a: {  	s3 =	rddreg [dreg:$0x2];
	[bflag:$0x3] =	sbarrier.arrive $0xFFFF;
	s2 =	simm.s32 @!p0 $0x1C02  }
0x3b: {  	[timem:s3], [sflag:s2] =	dma.local @!p0 [hbm:s0], s1  }
0x3c: {  	s0 =	simm.s32 @!p0 $0x2  }
0x3d: {  	_ =	swait.ge @!p0 [sflag:s0], s1  }
0x3e: {  	s1 =	ssub.s32 @!p0 $0x0, s1;
	[sflag:s0] =	ssyncset.done @!p0 $0x0  }
0x3f: {  	[sflag:s0] =	ssyncadd.s32 @!p0 s1  }
0x40: {  	[bflag:$0x3] =	sbarrier.arrive $0xFFFF  }
0x41: {  	_ =	shalt  }

</sc_bundles>
